<compile_context>
chip_gen: v7x
topology: tpu7x:2x2x1
jax: 0.10.2.dev20260603
libtpu: 0.0.44.dev20260713+nightly
codegen_flags: <defaults>
</compile_context>

<pallas_src>
import functools

import jax
import jax.numpy as jnp
from jax import lax
from jax.experimental import pallas as pl
from jax.experimental.pallas import tpu as pltpu
from jax.experimental.pallas import tpu_sc as plsc

D = 128
B = 4
S = 2048
TOTAL = B * S
NC = 2
NS = 16
L = 16
NW = NC * NS
BPW = TOTAL // NW
CHUNKS = (16, 16, 32, 64, 128)
COFFS = (0, 16, 32, 64, 128)
NCHUNK = len(CHUNKS)


def _build():
    mesh = plsc.VectorSubcoreMesh(core_axis_name="c", subcore_axis_name="s")

    @functools.partial(
        pl.kernel,
        mesh=mesh,
        out_type=jax.ShapeDtypeStruct((B, S, D), jnp.float32),
        scratch_types=[
            pltpu.VMEM((BPW,), jnp.int32),
            pltpu.VMEM((BPW, D), jnp.float32),
            [pltpu.SemaphoreType.DMA] * NCHUNK,
            [pltpu.SemaphoreType.DMA] * NCHUNK,
            pltpu.SemaphoreType.DMA,
            pltpu.SemaphoreType.DMA,
        ],
    )
    def emb_kernel(idx_hbm, table_hbm, pos_hbm, out_hbm,
                   idx_v, rows_v, gsems, psems, isem, osem):
        c = lax.axis_index("c")
        s = lax.axis_index("s")
        wid = c * NS + s
        gbase = wid * BPW
        b = lax.div(gbase, S)
        off = lax.rem(gbase, S)

        idx_cp = pltpu.async_copy(idx_hbm.at[b, pl.ds(off, BPW)], idx_v, isem)
        pos_cps = [
            pltpu.async_copy(
                pos_hbm.at[pl.ds(off + COFFS[j], CHUNKS[j])],
                rows_v.at[pl.ds(COFFS[j], CHUNKS[j])],
                psems[j],
            )
            for j in range(NCHUNK)
        ]
        idx_cp.wait()

        gathers = []
        for j in range(NCHUNK):
            pos_cps[j].wait()
            gathers.append(pltpu.async_copy(
                table_hbm.at[idx_v.at[pl.ds(COFFS[j], CHUNKS[j])]],
                rows_v.at[pl.ds(COFFS[j], CHUNKS[j])],
                gsems[j],
                add=True,
            ))
        outs = []
        for j in range(NCHUNK):
            gathers[j].wait()
            outs.append(pltpu.async_copy(
                rows_v.at[pl.ds(COFFS[j], CHUNKS[j])],
                out_hbm.at[b, pl.ds(off + COFFS[j], CHUNKS[j])],
                osem,
            ))
        for o in outs:
            o.wait()

    return emb_kernel


_emb_kernel = _build()


def kernel(input_ids, token_embeddings, position_embeddings):
    return _emb_kernel(input_ids.astype(jnp.int32), token_embeddings,
                       position_embeddings)

# --- scband reference (transcript-rebuilt; emitter-appended) ---
"""Pipeline reference for scband-gptembeddings-56959856280147 (READ-ONLY COPY).

The authoritative reference and input builder live on the scoring server;
editing this copy changes nothing except your own understanding.
"""

import jax, jax.numpy as jnp
import numpy as np

VOCAB_SIZE = 100000
N_EMBD = 128
N_POSITIONS = 2048
BATCH = 4
SEQ_LEN = 2048

def setup_inputs(seed: int = 0) -> dict:
    key = jax.random.key(seed)
    k1, k2, k3 = jax.random.split(key, 3)
    input_ids = jax.random.randint(k1, (BATCH, SEQ_LEN), 0, VOCAB_SIZE, dtype=jnp.int64 if jax.config.jax_enable_x64 else jnp.int32)
    token_embeddings = jax.random.normal(k2, (VOCAB_SIZE, N_EMBD), dtype=jnp.float32)
    position_embeddings = jax.random.normal(k3, (N_POSITIONS, N_EMBD), dtype=jnp.float32)
    return {"input_ids": input_ids, "token_embeddings": token_embeddings, "position_embeddings": position_embeddings}

def reference(input_ids, token_embeddings, position_embeddings):
    # token embedding gather
    tok = jnp.take(token_embeddings, input_ids, axis=0)  # (B, S, D)
    # positional embedding slice, broadcast over batch
    pos = position_embeddings[: input_ids.shape[1]]  # (S, D)
    embeddings = tok + pos[None, :, :]
    # dropout is identity in eval / deterministic reference
    return embeddings

if __name__ == "__main__":
    import jax
    _d = setup_inputs()
    print(jax.jit(kernel)(*tuple(_d.values())))

</pallas_src>

<mosaic_0001>
#map = affine_map<(d0, d1) -> (0, 0)>
#map1 = affine_map<(d0, d1) -> (0, 0, 0)>
module attributes {stable_mosaic.version = 14 : i64} {
  func.func @emb_kernel(%arg0: i32, %arg1: i32, %arg2: memref<4x2048xi32, #tpu.memory_space<hbm>>, %arg3: memref<100000x128xf32, #tpu.memory_space<hbm>>, %arg4: memref<2048x128xf32, #tpu.memory_space<hbm>>, %arg5: memref<4x2048x128xf32, #tpu.memory_space<hbm>>, %arg6: memref<256xi32, #tpu.memory_space<vmem>>, %arg7: memref<256x128xf32, #tpu.memory_space<vmem>>, %arg8: memref<!tpu.dma_semaphore, #tpu.memory_space<semaphore_mem>>, %arg9: memref<!tpu.dma_semaphore, #tpu.memory_space<semaphore_mem>>, %arg10: memref<!tpu.dma_semaphore, #tpu.memory_space<semaphore_mem>>, %arg11: memref<!tpu.dma_semaphore, #tpu.memory_space<semaphore_mem>>, %arg12: memref<!tpu.dma_semaphore, #tpu.memory_space<semaphore_mem>>, %arg13: memref<!tpu.dma_semaphore, #tpu.memory_space<semaphore_mem>>, %arg14: memref<!tpu.dma_semaphore, #tpu.memory_space<semaphore_mem>>, %arg15: memref<!tpu.dma_semaphore, #tpu.memory_space<semaphore_mem>>, %arg16: memref<!tpu.dma_semaphore, #tpu.memory_space<semaphore_mem>>, %arg17: memref<!tpu.dma_semaphore, #tpu.memory_space<semaphore_mem>>, %arg18: memref<!tpu.dma_semaphore, #tpu.memory_space<semaphore_mem>>, %arg19: memref<!tpu.dma_semaphore, #tpu.memory_space<semaphore_mem>>) attributes {dimension_semantics = [#tpu.dimension_semantics<core_parallel>, #tpu.dimension_semantics<subcore_parallel>], iteration_bounds = array<i64: 2, 16>, scalar_prefetch = 0 : i64, scratch_operands = 14 : i64, tpu.core_type = #tpu.core_type<sc_vector_subcore>, window_params = [{transform_indices = #map}, {transform_indices = #map}, {transform_indices = #map}, {transform_indices = #map1}]} {
    %mul3A = arith.constant 16 : i32
    %mul3A_0 = arith.muli %arg0, %mul3A : i32
    %add3A = arith.addi %mul3A_0, %arg1 : i32
    %mul3A_1 = arith.constant 256 : i32
    %mul3A_2 = arith.muli %add3A, %mul3A_1 : i32
    %div3A = arith.constant 2048 : i32
    %div3A_3 = arith.divsi %mul3A_2, %div3A : i32
    %rem3A = arith.constant 2048 : i32
    %rem3A_4 = arith.remsi %mul3A_2, %rem3A : i32
    %dma_start3A = tpu.memref_slice %arg2[%div3A_3, %rem3A_4] : memref<4x2048xi32, #tpu.memory_space<hbm>> -> memref<1x256xi32, #tpu.memory_space<hbm>>
    %dma_start3A_5 = tpu.memref_squeeze %dma_start3A : memref<1x256xi32, #tpu.memory_space<hbm>> -> memref<256xi32, #tpu.memory_space<hbm>>
    %dma_start3A_6 = tpu.memref_slice %arg2[%div3A_3, %rem3A_4] : memref<4x2048xi32, #tpu.memory_space<hbm>> -> memref<1x256xi32, #tpu.memory_space<hbm>>
    %dma_start3A_7 = tpu.memref_squeeze %dma_start3A_6 : memref<1x256xi32, #tpu.memory_space<hbm>> -> memref<256xi32, #tpu.memory_space<hbm>>
    tpu.enqueue_dma source(%dma_start3A_7 : memref<256xi32, #tpu.memory_space<hbm>>) target(%arg6 : memref<256xi32, #tpu.memory_space<vmem>>) target_semaphore(%arg18 : memref<!tpu.dma_semaphore, #tpu.memory_space<semaphore_mem>>)
    %add3A_8 = arith.constant 0 : i32
    %add3A_9 = arith.addi %rem3A_4, %add3A_8 : i32
    %dma_start3A_10 = arith.constant 0 : i32
    %dma_start3A_11 = arith.constant 0 : i32
    %dma_start3A_12 = tpu.memref_slice %arg7[%dma_start3A_10, %dma_start3A_11] : memref<256x128xf32, #tpu.memory_space<vmem>> -> memref<16x128xf32, #tpu.memory_space<vmem>>
    %dma_start3A_13 = arith.constant 0 : i32
    %dma_start3A_14 = tpu.memref_slice %arg4[%add3A_9, %dma_start3A_13] : memref<2048x128xf32, #tpu.memory_space<hbm>> -> memref<16x128xf32, #tpu.memory_space<hbm>>
    %dma_start3A_15 = arith.constant 0 : i32
    %dma_start3A_16 = arith.constant 0 : i32
    %dma_start3A_17 = tpu.memref_slice %arg7[%dma_start3A_15, %dma_start3A_16] : memref<256x128xf32, #tpu.memory_space<vmem>> -> memref<16x128xf32, #tpu.memory_space<vmem>>
    %dma_start3A_18 = arith.constant 0 : i32
    %dma_start3A_19 = tpu.memref_slice %arg4[%add3A_9, %dma_start3A_18] : memref<2048x128xf32, #tpu.memory_space<hbm>> -> memref<16x128xf32, #tpu.memory_space<hbm>>
    tpu.enqueue_dma source(%dma_start3A_19 : memref<16x128xf32, #tpu.memory_space<hbm>>) target(%dma_start3A_17 : memref<16x128xf32, #tpu.memory_space<vmem>>) target_semaphore(%arg13 : memref<!tpu.dma_semaphore, #tpu.memory_space<semaphore_mem>>)
    %add3A_20 = arith.constant 16 : i32
    %add3A_21 = arith.addi %rem3A_4, %add3A_20 : i32
    %dma_start3A_22 = arith.constant 16 : i32
    %dma_start3A_23 = arith.constant 0 : i32
    %dma_start3A_24 = tpu.memref_slice %arg7[%dma_start3A_22, %dma_start3A_23] : memref<256x128xf32, #tpu.memory_space<vmem>> -> memref<16x128xf32, #tpu.memory_space<vmem>>
    %dma_start3A_25 = arith.constant 0 : i32
    %dma_start3A_26 = tpu.memref_slice %arg4[%add3A_21, %dma_start3A_25] : memref<2048x128xf32, #tpu.memory_space<hbm>> -> memref<16x128xf32, #tpu.memory_space<hbm>>
    %dma_start3A_27 = arith.constant 16 : i32
    %dma_start3A_28 = arith.constant 0 : i32
    %dma_start3A_29 = tpu.memref_slice %arg7[%dma_start3A_27, %dma_start3A_28] : memref<256x128xf32, #tpu.memory_space<vmem>> -> memref<16x128xf32, #tpu.memory_space<vmem>>
    %dma_start3A_30 = arith.constant 0 : i32
    %dma_start3A_31 = tpu.memref_slice %arg4[%add3A_21, %dma_start3A_30] : memref<2048x128xf32, #tpu.memory_space<hbm>> -> memref<16x128xf32, #tpu.memory_space<hbm>>
    tpu.enqueue_dma source(%dma_start3A_31 : memref<16x128xf32, #tpu.memory_space<hbm>>) target(%dma_start3A_29 : memref<16x128xf32, #tpu.memory_space<vmem>>) target_semaphore(%arg14 : memref<!tpu.dma_semaphore, #tpu.memory_space<semaphore_mem>>)
    %add3A_32 = arith.constant 32 : i32
    %add3A_33 = arith.addi %rem3A_4, %add3A_32 : i32
    %dma_start3A_34 = arith.constant 32 : i32
    %dma_start3A_35 = arith.constant 0 : i32
    %dma_start3A_36 = tpu.memref_slice %arg7[%dma_start3A_34, %dma_start3A_35] : memref<256x128xf32, #tpu.memory_space<vmem>> -> memref<32x128xf32, #tpu.memory_space<vmem>>
    %dma_start3A_37 = arith.constant 0 : i32
    %dma_start3A_38 = tpu.memref_slice %arg4[%add3A_33, %dma_start3A_37] : memref<2048x128xf32, #tpu.memory_space<hbm>> -> memref<32x128xf32, #tpu.memory_space<hbm>>
    %dma_start3A_39 = arith.constant 32 : i32
    %dma_start3A_40 = arith.constant 0 : i32
    %dma_start3A_41 = tpu.memref_slice %arg7[%dma_start3A_39, %dma_start3A_40] : memref<256x128xf32, #tpu.memory_space<vmem>> -> memref<32x128xf32, #tpu.memory_space<vmem>>
    %dma_start3A_42 = arith.constant 0 : i32
    %dma_start3A_43 = tpu.memref_slice %arg4[%add3A_33, %dma_start3A_42] : memref<2048x128xf32, #tpu.memory_space<hbm>> -> memref<32x128xf32, #tpu.memory_space<hbm>>
    tpu.enqueue_dma source(%dma_start3A_43 : memref<32x128xf32, #tpu.memory_space<hbm>>) target(%dma_start3A_41 : memref<32x128xf32, #tpu.memory_space<vmem>>) target_semaphore(%arg15 : memref<!tpu.dma_semaphore, #tpu.memory_space<semaphore_mem>>)
    %add3A_44 = arith.constant 64 : i32
    %add3A_45 = arith.addi %rem3A_4, %add3A_44 : i32
    %dma_start3A_46 = arith.constant 64 : i32
    %dma_start3A_47 = arith.constant 0 : i32
    %dma_start3A_48 = tpu.memref_slice %arg7[%dma_start3A_46, %dma_start3A_47] : memref<256x128xf32, #tpu.memory_space<vmem>> -> memref<64x128xf32, #tpu.memory_space<vmem>>
    %dma_start3A_49 = arith.constant 0 : i32
    %dma_start3A_50 = tpu.memref_slice %arg4[%add3A_45, %dma_start3A_49] : memref<2048x128xf32, #tpu.memory_space<hbm>> -> memref<64x128xf32, #tpu.memory_space<hbm>>
    %dma_start3A_51 = arith.constant 64 : i32
    %dma_start3A_52 = arith.constant 0 : i32
    %dma_start3A_53 = tpu.memref_slice %arg7[%dma_start3A_51, %dma_start3A_52] : memref<256x128xf32, #tpu.memory_space<vmem>> -> memref<64x128xf32, #tpu.memory_space<vmem>>
    %dma_start3A_54 = arith.constant 0 : i32
    %dma_start3A_55 = tpu.memref_slice %arg4[%add3A_45, %dma_start3A_54] : memref<2048x128xf32, #tpu.memory_space<hbm>> -> memref<64x128xf32, #tpu.memory_space<hbm>>
    tpu.enqueue_dma source(%dma_start3A_55 : memref<64x128xf32, #tpu.memory_space<hbm>>) target(%dma_start3A_53 : memref<64x128xf32, #tpu.memory_space<vmem>>) target_semaphore(%arg16 : memref<!tpu.dma_semaphore, #tpu.memory_space<semaphore_mem>>)
    %add3A_56 = arith.constant 128 : i32
    %add3A_57 = arith.addi %rem3A_4, %add3A_56 : i32
    %dma_start3A_58 = arith.constant 128 : i32
    %dma_start3A_59 = arith.constant 0 : i32
    %dma_start3A_60 = tpu.memref_slice %arg7[%dma_start3A_58, %dma_start3A_59] : memref<256x128xf32, #tpu.memory_space<vmem>> -> memref<128x128xf32, #tpu.memory_space<vmem>>
    %dma_start3A_61 = arith.constant 0 : i32
    %dma_start3A_62 = tpu.memref_slice %arg4[%add3A_57, %dma_start3A_61] : memref<2048x128xf32, #tpu.memory_space<hbm>> -> memref<128x128xf32, #tpu.memory_space<hbm>>
    %dma_start3A_63 = arith.constant 128 : i32
    %dma_start3A_64 = arith.constant 0 : i32
    %dma_start3A_65 = tpu.memref_slice %arg7[%dma_start3A_63, %dma_start3A_64] : memref<256x128xf32, #tpu.memory_space<vmem>> -> memref<128x128xf32, #tpu.memory_space<vmem>>
    %dma_start3A_66 = arith.constant 0 : i32
    %dma_start3A_67 = tpu.memref_slice %arg4[%add3A_57, %dma_start3A_66] : memref<2048x128xf32, #tpu.memory_space<hbm>> -> memref<128x128xf32, #tpu.memory_space<hbm>>
    tpu.enqueue_dma source(%dma_start3A_67 : memref<128x128xf32, #tpu.memory_space<hbm>>) target(%dma_start3A_65 : memref<128x128xf32, #tpu.memory_space<vmem>>) target_semaphore(%arg17 : memref<!tpu.dma_semaphore, #tpu.memory_space<semaphore_mem>>)
    %dma_wait3A = tpu.memref_slice %arg2[%div3A_3, %rem3A_4] : memref<4x2048xi32, #tpu.memory_space<hbm>> -> memref<1x256xi32, #tpu.memory_space<hbm>>
    %dma_wait3A_68 = tpu.memref_squeeze %dma_wait3A : memref<1x256xi32, #tpu.memory_space<hbm>> -> memref<256xi32, #tpu.memory_space<hbm>>
    %dma_wait3A_69 = tpu.memref_slice %arg2[%div3A_3, %rem3A_4] : memref<4x2048xi32, #tpu.memory_space<hbm>> -> memref<1x256xi32, #tpu.memory_space<hbm>>
    %dma_wait3A_70 = tpu.memref_squeeze %dma_wait3A_69 : memref<1x256xi32, #tpu.memory_space<hbm>> -> memref<256xi32, #tpu.memory_space<hbm>>
    tpu.wait_dma2 semaphore(%arg18 : memref<!tpu.dma_semaphore, #tpu.memory_space<semaphore_mem>>) src(%dma_wait3A_70 : memref<256xi32, #tpu.memory_space<hbm>>) dst(%arg6 : memref<256xi32, #tpu.memory_space<vmem>>)
    %dma_wait3A_71 = arith.constant 0 : i32
    %dma_wait3A_72 = arith.constant 0 : i32
    %dma_wait3A_73 = tpu.memref_slice %arg7[%dma_wait3A_71, %dma_wait3A_72] : memref<256x128xf32, #tpu.memory_space<vmem>> -> memref<16x128xf32, #tpu.memory_space<vmem>>
    %dma_wait3A_74 = arith.constant 0 : i32
    %dma_wait3A_75 = tpu.memref_slice %arg4[%add3A_9, %dma_wait3A_74] : memref<2048x128xf32, #tpu.memory_space<hbm>> -> memref<16x128xf32, #tpu.memory_space<hbm>>
    %dma_wait3A_76 = arith.constant 0 : i32
    %dma_wait3A_77 = arith.constant 0 : i32
    %dma_wait3A_78 = tpu.memref_slice %arg7[%dma_wait3A_76, %dma_wait3A_77] : memref<256x128xf32, #tpu.memory_space<vmem>> -> memref<16x128xf32, #tpu.memory_space<vmem>>
    %dma_wait3A_79 = arith.constant 0 : i32
    %dma_wait3A_80 = tpu.memref_slice %arg4[%add3A_9, %dma_wait3A_79] : memref<2048x128xf32, #tpu.memory_space<hbm>> -> memref<16x128xf32, #tpu.memory_space<hbm>>
    tpu.wait_dma2 semaphore(%arg13 : memref<!tpu.dma_semaphore, #tpu.memory_space<semaphore_mem>>) src(%dma_wait3A_80 : memref<16x128xf32, #tpu.memory_space<hbm>>) dst(%dma_wait3A_78 : memref<16x128xf32, #tpu.memory_space<vmem>>)
    %dma_start3A_81 = arith.constant 0 : i32
    %dma_start3A_82 = arith.constant 0 : i32
    %dma_start3A_83 = tpu.memref_slice %arg7[%dma_start3A_81, %dma_start3A_82] : memref<256x128xf32, #tpu.memory_space<vmem>> -> memref<16x128xf32, #tpu.memory_space<vmem>>
    %dma_start3A_84 = arith.constant 0 : i32
    %dma_start3A_85 = tpu.memref_slice %arg6[%dma_start3A_84] : memref<256xi32, #tpu.memory_space<vmem>> -> memref<16xi32, #tpu.memory_space<vmem>>
    %dma_start3A_86 = arith.constant 0 : i32
    %dma_start3A_87 = arith.constant 0 : i32
    %dma_start3A_88 = tpu.memref_slice %arg3[%dma_start3A_86, %dma_start3A_87] : memref<100000x128xf32, #tpu.memory_space<hbm>> -> memref<100000x128xf32, #tpu.memory_space<hbm>>
    tpu.enqueue_indirect_dma source(%dma_start3A_88 : memref<100000x128xf32, #tpu.memory_space<hbm>>) target(%dma_start3A_83 : memref<16x128xf32, #tpu.memory_space<vmem>>) offsets(%dma_start3A_85 : memref<16xi32, #tpu.memory_space<vmem>>) semaphore(%arg8 : memref<!tpu.dma_semaphore, #tpu.memory_space<semaphore_mem>>) {add = true}
    %dma_wait3A_89 = arith.constant 16 : i32
    %dma_wait3A_90 = arith.constant 0 : i32
    %dma_wait3A_91 = tpu.memref_slice %arg7[%dma_wait3A_89, %dma_wait3A_90] : memref<256x128xf32, #tpu.memory_space<vmem>> -> memref<16x128xf32, #tpu.memory_space<vmem>>
    %dma_wait3A_92 = arith.constant 0 : i32
    %dma_wait3A_93 = tpu.memref_slice %arg4[%add3A_21, %dma_wait3A_92] : memref<2048x128xf32, #tpu.memory_space<hbm>> -> memref<16x128xf32, #tpu.memory_space<hbm>>
    %dma_wait3A_94 = arith.constant 16 : i32
    %dma_wait3A_95 = arith.constant 0 : i32
    %dma_wait3A_96 = tpu.memref_slice %arg7[%dma_wait3A_94, %dma_wait3A_95] : memref<256x128xf32, #tpu.memory_space<vmem>> -> memref<16x128xf32, #tpu.memory_space<vmem>>
    %dma_wait3A_97 = arith.constant 0 : i32
    %dma_wait3A_98 = tpu.memref_slice %arg4[%add3A_21, %dma_wait3A_97] : memref<2048x128xf32, #tpu.memory_space<hbm>> -> memref<16x128xf32, #tpu.memory_space<hbm>>
    tpu.wait_dma2 semaphore(%arg14 : memref<!tpu.dma_semaphore, #tpu.memory_space<semaphore_mem>>) src(%dma_wait3A_98 : memref<16x128xf32, #tpu.memory_space<hbm>>) dst(%dma_wait3A_96 : memref<16x128xf32, #tpu.memory_space<vmem>>)
    %dma_start3A_99 = arith.constant 16 : i32
    %dma_start3A_100 = arith.constant 0 : i32
    %dma_start3A_101 = tpu.memref_slice %arg7[%dma_start3A_99, %dma_start3A_100] : memref<256x128xf32, #tpu.memory_space<vmem>> -> memref<16x128xf32, #tpu.memory_space<vmem>>
    %dma_start3A_102 = arith.constant 16 : i32
    %dma_start3A_103 = tpu.memref_slice %arg6[%dma_start3A_102] : memref<256xi32, #tpu.memory_space<vmem>> -> memref<16xi32, #tpu.memory_space<vmem>>
    %dma_start3A_104 = arith.constant 0 : i32
    %dma_start3A_105 = arith.constant 0 : i32
    %dma_start3A_106 = tpu.memref_slice %arg3[%dma_start3A_104, %dma_start3A_105] : memref<100000x128xf32, #tpu.memory_space<hbm>> -> memref<100000x128xf32, #tpu.memory_space<hbm>>
    tpu.enqueue_indirect_dma source(%dma_start3A_106 : memref<100000x128xf32, #tpu.memory_space<hbm>>) target(%dma_start3A_101 : memref<16x128xf32, #tpu.memory_space<vmem>>) offsets(%dma_start3A_103 : memref<16xi32, #tpu.memory_space<vmem>>) semaphore(%arg9 : memref<!tpu.dma_semaphore, #tpu.memory_space<semaphore_mem>>) {add = true}
    %dma_wait3A_107 = arith.constant 32 : i32
    %dma_wait3A_108 = arith.constant 0 : i32
    %dma_wait3A_109 = tpu.memref_slice %arg7[%dma_wait3A_107, %dma_wait3A_108] : memref<256x128xf32, #tpu.memory_space<vmem>> -> memref<32x128xf32, #tpu.memory_space<vmem>>
    %dma_wait3A_110 = arith.constant 0 : i32
    %dma_wait3A_111 = tpu.memref_slice %arg4[%add3A_33, %dma_wait3A_110] : memref<2048x128xf32, #tpu.memory_space<hbm>> -> memref<32x128xf32, #tpu.memory_space<hbm>>
    %dma_wait3A_112 = arith.constant 32 : i32
    %dma_wait3A_113 = arith.constant 0 : i32
    %dma_wait3A_114 = tpu.memref_slice %arg7[%dma_wait3A_112, %dma_wait3A_113] : memref<256x128xf32, #tpu.memory_space<vmem>> -> memref<32x128xf32, #tpu.memory_space<vmem>>
    %dma_wait3A_115 = arith.constant 0 : i32
    %dma_wait3A_116 = tpu.memref_slice %arg4[%add3A_33, %dma_wait3A_115] : memref<2048x128xf32, #tpu.memory_space<hbm>> -> memref<32x128xf32, #tpu.memory_space<hbm>>
    tpu.wait_dma2 semaphore(%arg15 : memref<!tpu.dma_semaphore, #tpu.memory_space<semaphore_mem>>) src(%dma_wait3A_116 : memref<32x128xf32, #tpu.memory_space<hbm>>) dst(%dma_wait3A_114 : memref<32x128xf32, #tpu.memory_space<vmem>>)
    %dma_start3A_117 = arith.constant 32 : i32
    %dma_start3A_118 = arith.constant 0 : i32
    %dma_start3A_119 = tpu.memref_slice %arg7[%dma_start3A_117, %dma_start3A_118] : memref<256x128xf32, #tpu.memory_space<vmem>> -> memref<32x128xf32, #tpu.memory_space<vmem>>
    %dma_start3A_120 = arith.constant 32 : i32
    %dma_start3A_121 = tpu.memref_slice %arg6[%dma_start3A_120] : memref<256xi32, #tpu.memory_space<vmem>> -> memref<32xi32, #tpu.memory_space<vmem>>
    %dma_start3A_122 = arith.constant 0 : i32
    %dma_start3A_123 = arith.constant 0 : i32
    %dma_start3A_124 = tpu.memref_slice %arg3[%dma_start3A_122, %dma_start3A_123] : memref<100000x128xf32, #tpu.memory_space<hbm>> -> memref<100000x128xf32, #tpu.memory_space<hbm>>
    tpu.enqueue_indirect_dma source(%dma_start3A_124 : memref<100000x128xf32, #tpu.memory_space<hbm>>) target(%dma_start3A_119 : memref<32x128xf32, #tpu.memory_space<vmem>>) offsets(%dma_start3A_121 : memref<32xi32, #tpu.memory_space<vmem>>) semaphore(%arg10 : memref<!tpu.dma_semaphore, #tpu.memory_space<semaphore_mem>>) {add = true}
    %dma_wait3A_125 = arith.constant 64 : i32
    %dma_wait3A_126 = arith.constant 0 : i32
    %dma_wait3A_127 = tpu.memref_slice %arg7[%dma_wait3A_125, %dma_wait3A_126] : memref<256x128xf32, #tpu.memory_space<vmem>> -> memref<64x128xf32, #tpu.memory_space<vmem>>
    %dma_wait3A_128 = arith.constant 0 : i32
    %dma_wait3A_129 = tpu.memref_slice %arg4[%add3A_45, %dma_wait3A_128] : memref<2048x128xf32, #tpu.memory_space<hbm>> -> memref<64x128xf32, #tpu.memory_space<hbm>>
    %dma_wait3A_130 = arith.constant 64 : i32
    %dma_wait3A_131 = arith.constant 0 : i32
    %dma_wait3A_132 = tpu.memref_slice %arg7[%dma_wait3A_130, %dma_wait3A_131] : memref<256x128xf32, #tpu.memory_space<vmem>> -> memref<64x128xf32, #tpu.memory_space<vmem>>
    %dma_wait3A_133 = arith.constant 0 : i32
    %dma_wait3A_134 = tpu.memref_slice %arg4[%add3A_45, %dma_wait3A_133] : memref<2048x128xf32, #tpu.memory_space<hbm>> -> memref<64x128xf32, #tpu.memory_space<hbm>>
    tpu.wait_dma2 semaphore(%arg16 : memref<!tpu.dma_semaphore, #tpu.memory_space<semaphore_mem>>) src(%dma_wait3A_134 : memref<64x128xf32, #tpu.memory_space<hbm>>) dst(%dma_wait3A_132 : memref<64x128xf32, #tpu.memory_space<vmem>>)
    %dma_start3A_135 = arith.constant 64 : i32
    %dma_start3A_136 = arith.constant 0 : i32
    %dma_start3A_137 = tpu.memref_slice %arg7[%dma_start3A_135, %dma_start3A_136] : memref<256x128xf32, #tpu.memory_space<vmem>> -> memref<64x128xf32, #tpu.memory_space<vmem>>
    %dma_start3A_138 = arith.constant 64 : i32
    %dma_start3A_139 = tpu.memref_slice %arg6[%dma_start3A_138] : memref<256xi32, #tpu.memory_space<vmem>> -> memref<64xi32, #tpu.memory_space<vmem>>
    %dma_start3A_140 = arith.constant 0 : i32
    %dma_start3A_141 = arith.constant 0 : i32
    %dma_start3A_142 = tpu.memref_slice %arg3[%dma_start3A_140, %dma_start3A_141] : memref<100000x128xf32, #tpu.memory_space<hbm>> -> memref<100000x128xf32, #tpu.memory_space<hbm>>
    tpu.enqueue_indirect_dma source(%dma_start3A_142 : memref<100000x128xf32, #tpu.memory_space<hbm>>) target(%dma_start3A_137 : memref<64x128xf32, #tpu.memory_space<vmem>>) offsets(%dma_start3A_139 : memref<64xi32, #tpu.memory_space<vmem>>) semaphore(%arg11 : memref<!tpu.dma_semaphore, #tpu.memory_space<semaphore_mem>>) {add = true}
    %dma_wait3A_143 = arith.constant 128 : i32
    %dma_wait3A_144 = arith.constant 0 : i32
    %dma_wait3A_145 = tpu.memref_slice %arg7[%dma_wait3A_143, %dma_wait3A_144] : memref<256x128xf32, #tpu.memory_space<vmem>> -> memref<128x128xf32, #tpu.memory_space<vmem>>
    %dma_wait3A_146 = arith.constant 0 : i32
    %dma_wait3A_147 = tpu.memref_slice %arg4[%add3A_57, %dma_wait3A_146] : memref<2048x128xf32, #tpu.memory_space<hbm>> -> memref<128x128xf32, #tpu.memory_space<hbm>>
    %dma_wait3A_148 = arith.constant 128 : i32
    %dma_wait3A_149 = arith.constant 0 : i32
    %dma_wait3A_150 = tpu.memref_slice %arg7[%dma_wait3A_148, %dma_wait3A_149] : memref<256x128xf32, #tpu.memory_space<vmem>> -> memref<128x128xf32, #tpu.memory_space<vmem>>
    %dma_wait3A_151 = arith.constant 0 : i32
    %dma_wait3A_152 = tpu.memref_slice %arg4[%add3A_57, %dma_wait3A_151] : memref<2048x128xf32, #tpu.memory_space<hbm>> -> memref<128x128xf32, #tpu.memory_space<hbm>>
    tpu.wait_dma2 semaphore(%arg17 : memref<!tpu.dma_semaphore, #tpu.memory_space<semaphore_mem>>) src(%dma_wait3A_152 : memref<128x128xf32, #tpu.memory_space<hbm>>) dst(%dma_wait3A_150 : memref<128x128xf32, #tpu.memory_space<vmem>>)
    %dma_start3A_153 = arith.constant 128 : i32
    %dma_start3A_154 = arith.constant 0 : i32
    %dma_start3A_155 = tpu.memref_slice %arg7[%dma_start3A_153, %dma_start3A_154] : memref<256x128xf32, #tpu.memory_space<vmem>> -> memref<128x128xf32, #tpu.memory_space<vmem>>
    %dma_start3A_156 = arith.constant 128 : i32
    %dma_start3A_157 = tpu.memref_slice %arg6[%dma_start3A_156] : memref<256xi32, #tpu.memory_space<vmem>> -> memref<128xi32, #tpu.memory_space<vmem>>
    %dma_start3A_158 = arith.constant 0 : i32
    %dma_start3A_159 = arith.constant 0 : i32
    %dma_start3A_160 = tpu.memref_slice %arg3[%dma_start3A_158, %dma_start3A_159] : memref<100000x128xf32, #tpu.memory_space<hbm>> -> memref<100000x128xf32, #tpu.memory_space<hbm>>
    tpu.enqueue_indirect_dma source(%dma_start3A_160 : memref<100000x128xf32, #tpu.memory_space<hbm>>) target(%dma_start3A_155 : memref<128x128xf32, #tpu.memory_space<vmem>>) offsets(%dma_start3A_157 : memref<128xi32, #tpu.memory_space<vmem>>) semaphore(%arg12 : memref<!tpu.dma_semaphore, #tpu.memory_space<semaphore_mem>>) {add = true}
    %dma_wait3A_161 = arith.constant 0 : i32
    %dma_wait3A_162 = arith.constant 0 : i32
    %dma_wait3A_163 = tpu.memref_slice %arg7[%dma_wait3A_161, %dma_wait3A_162] : memref<256x128xf32, #tpu.memory_space<vmem>> -> memref<16x128xf32, #tpu.memory_space<vmem>>
    %dma_wait3A_164 = arith.constant 0 : i32
    %dma_wait3A_165 = tpu.memref_slice %arg6[%dma_wait3A_164] : memref<256xi32, #tpu.memory_space<vmem>> -> memref<16xi32, #tpu.memory_space<vmem>>
    %dma_wait3A_166 = arith.constant 0 : i32
    %dma_wait3A_167 = arith.constant 0 : i32
    %dma_wait3A_168 = tpu.memref_slice %arg3[%dma_wait3A_166, %dma_wait3A_167] : memref<100000x128xf32, #tpu.memory_space<hbm>> -> memref<100000x128xf32, #tpu.memory_space<hbm>>
    tpu.wait_indirect_dma semaphore(%arg8 : memref<!tpu.dma_semaphore, #tpu.memory_space<semaphore_mem>>) src(%dma_wait3A_168 : memref<100000x128xf32, #tpu.memory_space<hbm>>) dst(%dma_wait3A_163 : memref<16x128xf32, #tpu.memory_space<vmem>>)
    %add3A_169 = arith.constant 0 : i32
    %add3A_170 = arith.addi %rem3A_4, %add3A_169 : i32
    %dma_start3A_171 = arith.constant 0 : i32
    %dma_start3A_172 = arith.constant 0 : i32
    %dma_start3A_173 = tpu.memref_slice %arg7[%dma_start3A_171, %dma_start3A_172] : memref<256x128xf32, #tpu.memory_space<vmem>> -> memref<16x128xf32, #tpu.memory_space<vmem>>
    %dma_start3A_174 = arith.constant 0 : i32
    %dma_start3A_175 = tpu.memref_slice %arg5[%div3A_3, %add3A_170, %dma_start3A_174] : memref<4x2048x128xf32, #tpu.memory_space<hbm>> -> memref<1x16x128xf32, #tpu.memory_space<hbm>>
    %dma_start3A_176 = tpu.memref_squeeze %dma_start3A_175 : memref<1x16x128xf32, #tpu.memory_space<hbm>> -> memref<16x128xf32, #tpu.memory_space<hbm>>
    %dma_start3A_177 = arith.constant 0 : i32
    %dma_start3A_178 = tpu.memref_slice %arg5[%div3A_3, %add3A_170, %dma_start3A_177] : memref<4x2048x128xf32, #tpu.memory_space<hbm>> -> memref<1x16x128xf32, #tpu.memory_space<hbm>>
    %dma_start3A_179 = tpu.memref_squeeze %dma_start3A_178 : memref<1x16x128xf32, #tpu.memory_space<hbm>> -> memref<16x128xf32, #tpu.memory_space<hbm>>
    %dma_start3A_180 = arith.constant 0 : i32
    %dma_start3A_181 = arith.constant 0 : i32
    %dma_start3A_182 = tpu.memref_slice %arg7[%dma_start3A_180, %dma_start3A_181] : memref<256x128xf32, #tpu.memory_space<vmem>> -> memref<16x128xf32, #tpu.memory_space<vmem>>
    tpu.enqueue_dma source(%dma_start3A_182 : memref<16x128xf32, #tpu.memory_space<vmem>>) target(%dma_start3A_179 : memref<16x128xf32, #tpu.memory_space<hbm>>) target_semaphore(%arg19 : memref<!tpu.dma_semaphore, #tpu.memory_space<semaphore_mem>>)
    %dma_wait3A_183 = arith.constant 16 : i32
    %dma_wait3A_184 = arith.constant 0 : i32
    %dma_wait3A_185 = tpu.memref_slice %arg7[%dma_wait3A_183, %dma_wait3A_184] : memref<256x128xf32, #tpu.memory_space<vmem>> -> memref<16x128xf32, #tpu.memory_space<vmem>>
    %dma_wait3A_186 = arith.constant 16 : i32
    %dma_wait3A_187 = tpu.memref_slice %arg6[%dma_wait3A_186] : memref<256xi32, #tpu.memory_space<vmem>> -> memref<16xi32, #tpu.memory_space<vmem>>
    %dma_wait3A_188 = arith.constant 0 : i32
    %dma_wait3A_189 = arith.constant 0 : i32
    %dma_wait3A_190 = tpu.memref_slice %arg3[%dma_wait3A_188, %dma_wait3A_189] : memref<100000x128xf32, #tpu.memory_space<hbm>> -> memref<100000x128xf32, #tpu.memory_space<hbm>>
    tpu.wait_indirect_dma semaphore(%arg9 : memref<!tpu.dma_semaphore, #tpu.memory_space<semaphore_mem>>) src(%dma_wait3A_190 : memref<100000x128xf32, #tpu.memory_space<hbm>>) dst(%dma_wait3A_185 : memref<16x128xf32, #tpu.memory_space<vmem>>)
    %add3A_191 = arith.constant 16 : i32
    %add3A_192 = arith.addi %rem3A_4, %add3A_191 : i32
    %dma_start3A_193 = arith.constant 16 : i32
    %dma_start3A_194 = arith.constant 0 : i32
    %dma_start3A_195 = tpu.memref_slice %arg7[%dma_start3A_193, %dma_start3A_194] : memref<256x128xf32, #tpu.memory_space<vmem>> -> memref<16x128xf32, #tpu.memory_space<vmem>>
    %dma_start3A_196 = arith.constant 0 : i32
    %dma_start3A_197 = tpu.memref_slice %arg5[%div3A_3, %add3A_192, %dma_start3A_196] : memref<4x2048x128xf32, #tpu.memory_space<hbm>> -> memref<1x16x128xf32, #tpu.memory_space<hbm>>
    %dma_start3A_198 = tpu.memref_squeeze %dma_start3A_197 : memref<1x16x128xf32, #tpu.memory_space<hbm>> -> memref<16x128xf32, #tpu.memory_space<hbm>>
    %dma_start3A_199 = arith.constant 0 : i32
    %dma_start3A_200 = tpu.memref_slice %arg5[%div3A_3, %add3A_192, %dma_start3A_199] : memref<4x2048x128xf32, #tpu.memory_space<hbm>> -> memref<1x16x128xf32, #tpu.memory_space<hbm>>
    %dma_start3A_201 = tpu.memref_squeeze %dma_start3A_200 : memref<1x16x128xf32, #tpu.memory_space<hbm>> -> memref<16x128xf32, #tpu.memory_space<hbm>>
    %dma_start3A_202 = arith.constant 16 : i32
    %dma_start3A_203 = arith.constant 0 : i32
    %dma_start3A_204 = tpu.memref_slice %arg7[%dma_start3A_202, %dma_start3A_203] : memref<256x128xf32, #tpu.memory_space<vmem>> -> memref<16x128xf32, #tpu.memory_space<vmem>>
    tpu.enqueue_dma source(%dma_start3A_204 : memref<16x128xf32, #tpu.memory_space<vmem>>) target(%dma_start3A_201 : memref<16x128xf32, #tpu.memory_space<hbm>>) target_semaphore(%arg19 : memref<!tpu.dma_semaphore, #tpu.memory_space<semaphore_mem>>)
    %dma_wait3A_205 = arith.constant 32 : i32
    %dma_wait3A_206 = arith.constant 0 : i32
    %dma_wait3A_207 = tpu.memref_slice %arg7[%dma_wait3A_205, %dma_wait3A_206] : memref<256x128xf32, #tpu.memory_space<vmem>> -> memref<32x128xf32, #tpu.memory_space<vmem>>
    %dma_wait3A_208 = arith.constant 32 : i32
    %dma_wait3A_209 = tpu.memref_slice %arg6[%dma_wait3A_208] : memref<256xi32, #tpu.memory_space<vmem>> -> memref<32xi32, #tpu.memory_space<vmem>>
    %dma_wait3A_210 = arith.constant 0 : i32
    %dma_wait3A_211 = arith.constant 0 : i32
    %dma_wait3A_212 = tpu.memref_slice %arg3[%dma_wait3A_210, %dma_wait3A_211] : memref<100000x128xf32, #tpu.memory_space<hbm>> -> memref<100000x128xf32, #tpu.memory_space<hbm>>
    tpu.wait_indirect_dma semaphore(%arg10 : memref<!tpu.dma_semaphore, #tpu.memory_space<semaphore_mem>>) src(%dma_wait3A_212 : memref<100000x128xf32, #tpu.memory_space<hbm>>) dst(%dma_wait3A_207 : memref<32x128xf32, #tpu.memory_space<vmem>>)
    %add3A_213 = arith.constant 32 : i32
    %add3A_214 = arith.addi %rem3A_4, %add3A_213 : i32
    %dma_start3A_215 = arith.constant 32 : i32
    %dma_start3A_216 = arith.constant 0 : i32
    %dma_start3A_217 = tpu.memref_slice %arg7[%dma_start3A_215, %dma_start3A_216] : memref<256x128xf32, #tpu.memory_space<vmem>> -> memref<32x128xf32, #tpu.memory_space<vmem>>
    %dma_start3A_218 = arith.constant 0 : i32
    %dma_start3A_219 = tpu.memref_slice %arg5[%div3A_3, %add3A_214, %dma_start3A_218] : memref<4x2048x128xf32, #tpu.memory_space<hbm>> -> memref<1x32x128xf32, #tpu.memory_space<hbm>>
    %dma_start3A_220 = tpu.memref_squeeze %dma_start3A_219 : memref<1x32x128xf32, #tpu.memory_space<hbm>> -> memref<32x128xf32, #tpu.memory_space<hbm>>
    %dma_start3A_221 = arith.constant 0 : i32
    %dma_start3A_222 = tpu.memref_slice %arg5[%div3A_3, %add3A_214, %dma_start3A_221] : memref<4x2048x128xf32, #tpu.memory_space<hbm>> -> memref<1x32x128xf32, #tpu.memory_space<hbm>>
    %dma_start3A_223 = tpu.memref_squeeze %dma_start3A_222 : memref<1x32x128xf32, #tpu.memory_space<hbm>> -> memref<32x128xf32, #tpu.memory_space<hbm>>
    %dma_start3A_224 = arith.constant 32 : i32
    %dma_start3A_225 = arith.constant 0 : i32
    %dma_start3A_226 = tpu.memref_slice %arg7[%dma_start3A_224, %dma_start3A_225] : memref<256x128xf32, #tpu.memory_space<vmem>> -> memref<32x128xf32, #tpu.memory_space<vmem>>
    tpu.enqueue_dma source(%dma_start3A_226 : memref<32x128xf32, #tpu.memory_space<vmem>>) target(%dma_start3A_223 : memref<32x128xf32, #tpu.memory_space<hbm>>) target_semaphore(%arg19 : memref<!tpu.dma_semaphore, #tpu.memory_space<semaphore_mem>>)
    %dma_wait3A_227 = arith.constant 64 : i32
    %dma_wait3A_228 = arith.constant 0 : i32
    %dma_wait3A_229 = tpu.memref_slice %arg7[%dma_wait3A_227, %dma_wait3A_228] : memref<256x128xf32, #tpu.memory_space<vmem>> -> memref<64x128xf32, #tpu.memory_space<vmem>>
    %dma_wait3A_230 = arith.constant 64 : i32
    %dma_wait3A_231 = tpu.memref_slice %arg6[%dma_wait3A_230] : memref<256xi32, #tpu.memory_space<vmem>> -> memref<64xi32, #tpu.memory_space<vmem>>
    %dma_wait3A_232 = arith.constant 0 : i32
    %dma_wait3A_233 = arith.constant 0 : i32
    %dma_wait3A_234 = tpu.memref_slice %arg3[%dma_wait3A_232, %dma_wait3A_233] : memref<100000x128xf32, #tpu.memory_space<hbm>> -> memref<100000x128xf32, #tpu.memory_space<hbm>>
    tpu.wait_indirect_dma semaphore(%arg11 : memref<!tpu.dma_semaphore, #tpu.memory_space<semaphore_mem>>) src(%dma_wait3A_234 : memref<100000x128xf32, #tpu.memory_space<hbm>>) dst(%dma_wait3A_229 : memref<64x128xf32, #tpu.memory_space<vmem>>)
    %add3A_235 = arith.constant 64 : i32
    %add3A_236 = arith.addi %rem3A_4, %add3A_235 : i32
    %dma_start3A_237 = arith.constant 64 : i32
    %dma_start3A_238 = arith.constant 0 : i32
    %dma_start3A_239 = tpu.memref_slice %arg7[%dma_start3A_237, %dma_start3A_238] : memref<256x128xf32, #tpu.memory_space<vmem>> -> memref<64x128xf32, #tpu.memory_space<vmem>>
    %dma_start3A_240 = arith.constant 0 : i32
    %dma_start3A_241 = tpu.memref_slice %arg5[%div3A_3, %add3A_236, %dma_start3A_240] : memref<4x2048x128xf32, #tpu.memory_space<hbm>> -> memref<1x64x128xf32, #tpu.memory_space<hbm>>
    %dma_start3A_242 = tpu.memref_squeeze %dma_start3A_241 : memref<1x64x128xf32, #tpu.memory_space<hbm>> -> memref<64x128xf32, #tpu.memory_space<hbm>>
    %dma_start3A_243 = arith.constant 0 : i32
    %dma_start3A_244 = tpu.memref_slice %arg5[%div3A_3, %add3A_236, %dma_start3A_243] : memref<4x2048x128xf32, #tpu.memory_space<hbm>> -> memref<1x64x128xf32, #tpu.memory_space<hbm>>
    %dma_start3A_245 = tpu.memref_squeeze %dma_start3A_244 : memref<1x64x128xf32, #tpu.memory_space<hbm>> -> memref<64x128xf32, #tpu.memory_space<hbm>>
    %dma_start3A_246 = arith.constant 64 : i32
    %dma_start3A_247 = arith.constant 0 : i32
    %dma_start3A_248 = tpu.memref_slice %arg7[%dma_start3A_246, %dma_start3A_247] : memref<256x128xf32, #tpu.memory_space<vmem>> -> memref<64x128xf32, #tpu.memory_space<vmem>>
    tpu.enqueue_dma source(%dma_start3A_248 : memref<64x128xf32, #tpu.memory_space<vmem>>) target(%dma_start3A_245 : memref<64x128xf32, #tpu.memory_space<hbm>>) target_semaphore(%arg19 : memref<!tpu.dma_semaphore, #tpu.memory_space<semaphore_mem>>)
    %dma_wait3A_249 = arith.constant 128 : i32
    %dma_wait3A_250 = arith.constant 0 : i32
    %dma_wait3A_251 = tpu.memref_slice %arg7[%dma_wait3A_249, %dma_wait3A_250] : memref<256x128xf32, #tpu.memory_space<vmem>> -> memref<128x128xf32, #tpu.memory_space<vmem>>
    %dma_wait3A_252 = arith.constant 128 : i32
    %dma_wait3A_253 = tpu.memref_slice %arg6[%dma_wait3A_252] : memref<256xi32, #tpu.memory_space<vmem>> -> memref<128xi32, #tpu.memory_space<vmem>>
    %dma_wait3A_254 = arith.constant 0 : i32
    %dma_wait3A_255 = arith.constant 0 : i32
    %dma_wait3A_256 = tpu.memref_slice %arg3[%dma_wait3A_254, %dma_wait3A_255] : memref<100000x128xf32, #tpu.memory_space<hbm>> -> memref<100000x128xf32, #tpu.memory_space<hbm>>
    tpu.wait_indirect_dma semaphore(%arg12 : memref<!tpu.dma_semaphore, #tpu.memory_space<semaphore_mem>>) src(%dma_wait3A_256 : memref<100000x128xf32, #tpu.memory_space<hbm>>) dst(%dma_wait3A_251 : memref<128x128xf32, #tpu.memory_space<vmem>>)
    %add3A_257 = arith.constant 128 : i32
    %add3A_258 = arith.addi %rem3A_4, %add3A_257 : i32
    %dma_start3A_259 = arith.constant 128 : i32
    %dma_start3A_260 = arith.constant 0 : i32
    %dma_start3A_261 = tpu.memref_slice %arg7[%dma_start3A_259, %dma_start3A_260] : memref<256x128xf32, #tpu.memory_space<vmem>> -> memref<128x128xf32, #tpu.memory_space<vmem>>
    %dma_start3A_262 = arith.constant 0 : i32
    %dma_start3A_263 = tpu.memref_slice %arg5[%div3A_3, %add3A_258, %dma_start3A_262] : memref<4x2048x128xf32, #tpu.memory_space<hbm>> -> memref<1x128x128xf32, #tpu.memory_space<hbm>>
    %dma_start3A_264 = tpu.memref_squeeze %dma_start3A_263 : memref<1x128x128xf32, #tpu.memory_space<hbm>> -> memref<128x128xf32, #tpu.memory_space<hbm>>
    %dma_start3A_265 = arith.constant 0 : i32
    %dma_start3A_266 = tpu.memref_slice %arg5[%div3A_3, %add3A_258, %dma_start3A_265] : memref<4x2048x128xf32, #tpu.memory_space<hbm>> -> memref<1x128x128xf32, #tpu.memory_space<hbm>>
    %dma_start3A_267 = tpu.memref_squeeze %dma_start3A_266 : memref<1x128x128xf32, #tpu.memory_space<hbm>> -> memref<128x128xf32, #tpu.memory_space<hbm>>
    %dma_start3A_268 = arith.constant 128 : i32
    %dma_start3A_269 = arith.constant 0 : i32
    %dma_start3A_270 = tpu.memref_slice %arg7[%dma_start3A_268, %dma_start3A_269] : memref<256x128xf32, #tpu.memory_space<vmem>> -> memref<128x128xf32, #tpu.memory_space<vmem>>
    tpu.enqueue_dma source(%dma_start3A_270 : memref<128x128xf32, #tpu.memory_space<vmem>>) target(%dma_start3A_267 : memref<128x128xf32, #tpu.memory_space<hbm>>) target_semaphore(%arg19 : memref<!tpu.dma_semaphore, #tpu.memory_space<semaphore_mem>>)
    %dma_wait3A_271 = arith.constant 0 : i32
    %dma_wait3A_272 = arith.constant 0 : i32
    %dma_wait3A_273 = tpu.memref_slice %arg7[%dma_wait3A_271, %dma_wait3A_272] : memref<256x128xf32, #tpu.memory_space<vmem>> -> memref<16x128xf32, #tpu.memory_space<vmem>>
    %dma_wait3A_274 = arith.constant 0 : i32
    %dma_wait3A_275 = tpu.memref_slice %arg5[%div3A_3, %add3A_170, %dma_wait3A_274] : memref<4x2048x128xf32, #tpu.memory_space<hbm>> -> memref<1x16x128xf32, #tpu.memory_space<hbm>>
    %dma_wait3A_276 = tpu.memref_squeeze %dma_wait3A_275 : memref<1x16x128xf32, #tpu.memory_space<hbm>> -> memref<16x128xf32, #tpu.memory_space<hbm>>
    %dma_wait3A_277 = arith.constant 0 : i32
    %dma_wait3A_278 = tpu.memref_slice %arg5[%div3A_3, %add3A_170, %dma_wait3A_277] : memref<4x2048x128xf32, #tpu.memory_space<hbm>> -> memref<1x16x128xf32, #tpu.memory_space<hbm>>
    %dma_wait3A_279 = tpu.memref_squeeze %dma_wait3A_278 : memref<1x16x128xf32, #tpu.memory_space<hbm>> -> memref<16x128xf32, #tpu.memory_space<hbm>>
    %dma_wait3A_280 = arith.constant 0 : i32
    %dma_wait3A_281 = arith.constant 0 : i32
    %dma_wait3A_282 = tpu.memref_slice %arg7[%dma_wait3A_280, %dma_wait3A_281] : memref<256x128xf32, #tpu.memory_space<vmem>> -> memref<16x128xf32, #tpu.memory_space<vmem>>
    tpu.wait_dma2 semaphore(%arg19 : memref<!tpu.dma_semaphore, #tpu.memory_space<semaphore_mem>>) src(%dma_wait3A_282 : memref<16x128xf32, #tpu.memory_space<vmem>>) dst(%dma_wait3A_279 : memref<16x128xf32, #tpu.memory_space<hbm>>)
    %dma_wait3A_283 = arith.constant 16 : i32
    %dma_wait3A_284 = arith.constant 0 : i32
    %dma_wait3A_285 = tpu.memref_slice %arg7[%dma_wait3A_283, %dma_wait3A_284] : memref<256x128xf32, #tpu.memory_space<vmem>> -> memref<16x128xf32, #tpu.memory_space<vmem>>
    %dma_wait3A_286 = arith.constant 0 : i32
    %dma_wait3A_287 = tpu.memref_slice %arg5[%div3A_3, %add3A_192, %dma_wait3A_286] : memref<4x2048x128xf32, #tpu.memory_space<hbm>> -> memref<1x16x128xf32, #tpu.memory_space<hbm>>
    %dma_wait3A_288 = tpu.memref_squeeze %dma_wait3A_287 : memref<1x16x128xf32, #tpu.memory_space<hbm>> -> memref<16x128xf32, #tpu.memory_space<hbm>>
    %dma_wait3A_289 = arith.constant 0 : i32
    %dma_wait3A_290 = tpu.memref_slice %arg5[%div3A_3, %add3A_192, %dma_wait3A_289] : memref<4x2048x128xf32, #tpu.memory_space<hbm>> -> memref<1x16x128xf32, #tpu.memory_space<hbm>>
    %dma_wait3A_291 = tpu.memref_squeeze %dma_wait3A_290 : memref<1x16x128xf32, #tpu.memory_space<hbm>> -> memref<16x128xf32, #tpu.memory_space<hbm>>
    %dma_wait3A_292 = arith.constant 16 : i32
    %dma_wait3A_293 = arith.constant 0 : i32
    %dma_wait3A_294 = tpu.memref_slice %arg7[%dma_wait3A_292, %dma_wait3A_293] : memref<256x128xf32, #tpu.memory_space<vmem>> -> memref<16x128xf32, #tpu.memory_space<vmem>>
    tpu.wait_dma2 semaphore(%arg19 : memref<!tpu.dma_semaphore, #tpu.memory_space<semaphore_mem>>) src(%dma_wait3A_294 : memref<16x128xf32, #tpu.memory_space<vmem>>) dst(%dma_wait3A_291 : memref<16x128xf32, #tpu.memory_space<hbm>>)
    %dma_wait3A_295 = arith.constant 32 : i32
    %dma_wait3A_296 = arith.constant 0 : i32
    %dma_wait3A_297 = tpu.memref_slice %arg7[%dma_wait3A_295, %dma_wait3A_296] : memref<256x128xf32, #tpu.memory_space<vmem>> -> memref<32x128xf32, #tpu.memory_space<vmem>>
    %dma_wait3A_298 = arith.constant 0 : i32
    %dma_wait3A_299 = tpu.memref_slice %arg5[%div3A_3, %add3A_214, %dma_wait3A_298] : memref<4x2048x128xf32, #tpu.memory_space<hbm>> -> memref<1x32x128xf32, #tpu.memory_space<hbm>>
    %dma_wait3A_300 = tpu.memref_squeeze %dma_wait3A_299 : memref<1x32x128xf32, #tpu.memory_space<hbm>> -> memref<32x128xf32, #tpu.memory_space<hbm>>
    %dma_wait3A_301 = arith.constant 0 : i32
    %dma_wait3A_302 = tpu.memref_slice %arg5[%div3A_3, %add3A_214, %dma_wait3A_301] : memref<4x2048x128xf32, #tpu.memory_space<hbm>> -> memref<1x32x128xf32, #tpu.memory_space<hbm>>
    %dma_wait3A_303 = tpu.memref_squeeze %dma_wait3A_302 : memref<1x32x128xf32, #tpu.memory_space<hbm>> -> memref<32x128xf32, #tpu.memory_space<hbm>>
    %dma_wait3A_304 = arith.constant 32 : i32
    %dma_wait3A_305 = arith.constant 0 : i32
    %dma_wait3A_306 = tpu.memref_slice %arg7[%dma_wait3A_304, %dma_wait3A_305] : memref<256x128xf32, #tpu.memory_space<vmem>> -> memref<32x128xf32, #tpu.memory_space<vmem>>
    tpu.wait_dma2 semaphore(%arg19 : memref<!tpu.dma_semaphore, #tpu.memory_space<semaphore_mem>>) src(%dma_wait3A_306 : memref<32x128xf32, #tpu.memory_space<vmem>>) dst(%dma_wait3A_303 : memref<32x128xf32, #tpu.memory_space<hbm>>)
    %dma_wait3A_307 = arith.constant 64 : i32
    %dma_wait3A_308 = arith.constant 0 : i32
    %dma_wait3A_309 = tpu.memref_slice %arg7[%dma_wait3A_307, %dma_wait3A_308] : memref<256x128xf32, #tpu.memory_space<vmem>> -> memref<64x128xf32, #tpu.memory_space<vmem>>
    %dma_wait3A_310 = arith.constant 0 : i32
    %dma_wait3A_311 = tpu.memref_slice %arg5[%div3A_3, %add3A_236, %dma_wait3A_310] : memref<4x2048x128xf32, #tpu.memory_space<hbm>> -> memref<1x64x128xf32, #tpu.memory_space<hbm>>
    %dma_wait3A_312 = tpu.memref_squeeze %dma_wait3A_311 : memref<1x64x128xf32, #tpu.memory_space<hbm>> -> memref<64x128xf32, #tpu.memory_space<hbm>>
    %dma_wait3A_313 = arith.constant 0 : i32
    %dma_wait3A_314 = tpu.memref_slice %arg5[%div3A_3, %add3A_236, %dma_wait3A_313] : memref<4x2048x128xf32, #tpu.memory_space<hbm>> -> memref<1x64x128xf32, #tpu.memory_space<hbm>>
    %dma_wait3A_315 = tpu.memref_squeeze %dma_wait3A_314 : memref<1x64x128xf32, #tpu.memory_space<hbm>> -> memref<64x128xf32, #tpu.memory_space<hbm>>
    %dma_wait3A_316 = arith.constant 64 : i32
    %dma_wait3A_317 = arith.constant 0 : i32
    %dma_wait3A_318 = tpu.memref_slice %arg7[%dma_wait3A_316, %dma_wait3A_317] : memref<256x128xf32, #tpu.memory_space<vmem>> -> memref<64x128xf32, #tpu.memory_space<vmem>>
    tpu.wait_dma2 semaphore(%arg19 : memref<!tpu.dma_semaphore, #tpu.memory_space<semaphore_mem>>) src(%dma_wait3A_318 : memref<64x128xf32, #tpu.memory_space<vmem>>) dst(%dma_wait3A_315 : memref<64x128xf32, #tpu.memory_space<hbm>>)
    %dma_wait3A_319 = arith.constant 128 : i32
    %dma_wait3A_320 = arith.constant 0 : i32
    %dma_wait3A_321 = tpu.memref_slice %arg7[%dma_wait3A_319, %dma_wait3A_320] : memref<256x128xf32, #tpu.memory_space<vmem>> -> memref<128x128xf32, #tpu.memory_space<vmem>>
    %dma_wait3A_322 = arith.constant 0 : i32
    %dma_wait3A_323 = tpu.memref_slice %arg5[%div3A_3, %add3A_258, %dma_wait3A_322] : memref<4x2048x128xf32, #tpu.memory_space<hbm>> -> memref<1x128x128xf32, #tpu.memory_space<hbm>>
    %dma_wait3A_324 = tpu.memref_squeeze %dma_wait3A_323 : memref<1x128x128xf32, #tpu.memory_space<hbm>> -> memref<128x128xf32, #tpu.memory_space<hbm>>
    %dma_wait3A_325 = arith.constant 0 : i32
    %dma_wait3A_326 = tpu.memref_slice %arg5[%div3A_3, %add3A_258, %dma_wait3A_325] : memref<4x2048x128xf32, #tpu.memory_space<hbm>> -> memref<1x128x128xf32, #tpu.memory_space<hbm>>
    %dma_wait3A_327 = tpu.memref_squeeze %dma_wait3A_326 : memref<1x128x128xf32, #tpu.memory_space<hbm>> -> memref<128x128xf32, #tpu.memory_space<hbm>>
    %dma_wait3A_328 = arith.constant 128 : i32
    %dma_wait3A_329 = arith.constant 0 : i32
    %dma_wait3A_330 = tpu.memref_slice %arg7[%dma_wait3A_328, %dma_wait3A_329] : memref<256x128xf32, #tpu.memory_space<vmem>> -> memref<128x128xf32, #tpu.memory_space<vmem>>
    tpu.wait_dma2 semaphore(%arg19 : memref<!tpu.dma_semaphore, #tpu.memory_space<semaphore_mem>>) src(%dma_wait3A_330 : memref<128x128xf32, #tpu.memory_space<vmem>>) dst(%dma_wait3A_327 : memref<128x128xf32, #tpu.memory_space<hbm>>)
    return
  }
}

</mosaic_0001>

<sc_bundles>
// kernel: kernel.3.cloned.1.call-start
scs
__scs_entry_jumppad:
0x0: {  	(pc) =	sbr.rel $0x88, $3  }
0x1: {  	(tag) =	ssettag $0x0;
	lr =	simm.s32 $0x1  }
0x2: {  	[smem:$0x3F9E] =	sst lr;
	_ =	strace $0xD0000000  }
0x3: {  	_ = 	snop  }
0x4: {  	_ = 	snop  }
0x5: {  	_ = 	snop  }
0x6: {  	_ = 	snop  }
0x7: {  	_ = 	snop  }
__scs_overlays_trampoline_lowered:
0x8: {  	[smem:$0x3FAD] =	sst s0  }
0x9: {  	[smem:$0x3FAE] =	sst s1  }
0xa: {  	[smem:$0x3FAF] =	sst s2  }
0xb: {  	[smem:$0x3FB0] =	sst s3  }
0xc: {  	[smem:$0x3FB1] =	sst s4  }
0xd: {  	[smem:$0x3FB2] =	sst s5  }
0xe: {  	[smem:$0x3FB3] =	sst s6  }
0xf: {  	[smem:$0x3FB4] =	sst s7  }
0x10: {  	[smem:$0x3FB5] =	sst s8  }
0x11: {  	[smem:$0x3FB6] =	sst s9;
	s0 =	simm.s32 @!p0 $0x0  }
0x12: {  	s1 =	sld [smem:$0x3F9C];
	s0 =	simm.s32 @p0 $0x1  }
0x13: {  	[smem:$0x3FB7] =	sst s0;
	s0 =	simm.s32 @!p1 $0x0  }
0x14: {  	s2 =	sld [smem:$0x3F9B];
	s0 =	simm.s32 @p1 $0x1  }
0x15: {  	[smem:$0x3FB8] =	sst s0;
	s0 =	simm.s32 @!p2 $0x0  }
0x16: {  	s3 =	sld [smem:$0x3FDB];
	s0 =	simm.s32 @p2 $0x1  }
0x17: {  	s4 =	simm.s32 $0x1BF5;
	[smem:$0x3FBA] =	sst s0  }
0x18: {  	s0 =	sld [smem:$0x3F9D];
	_ =	swait.ge [sflag:s4], $0x0  }
0x19: {  	s7 =	sld [smem:$0x3F9E]  }
0x1a: {  	s8 =	sadd.s32 $0xFFFFE003, lr  }
0x1b: {  	s9 =	sadd.s32 $0xFFFFFEF7, lr;
	s5 =	simm.s32 $0xFFFFFFFF;
	p2 =	slt.u32 s8, $0xFFFFF086  }
0x1c: {  	p1 =	slt.u32 s9, $0xF7A;
	s5 =	simm.s32 @!p2 $0x0  }
0x1d: {  	s5 =	simm.s32 @p1 $0x1;
	p0 =	seq.s32 s7, s2  }
0x1e: {  	s7 =	smul.u32 @!p0 $0xF7A, s2;
	p2 =	seq.s32 @!p0 s5, $0x0  }
0x1f: {  	s9 =	smul.u32 $0xF7A, s1;
	s8 =	simm.s32 @!p0 $0x1BF5;
	p2 =	por !p2, p0  }
0x20: {  	[sflag:s8] =	ssyncset.s32 @!p0 $0xFFFFF086;
	s6 =	sadd.s32 @!p0 s3, s7;
	s7 =	simm.s32 @!p0 $0x108  }
0x21: {  	s3 =	sadd.s32 s3, s9;
	s6 =	sadd.s32 @!p0 $0x88, s6;
	s7 =	simm.s32 @p2 $0x1082  }
0x22: {  	[simem:s7], [sflag:s8] =	dma.local @!p0 [hbm:s6], $0xF7A  }
0x23: {  	s9 =	sor.u32 $0xD0000000, s2;
	s6 =	simm.s32 $0x108;
	_ =	swait.ge @!p0 [sflag:s8], $0x0  }
0x24: {  	s3 =	sadd.s32 $0x88, s3;
	s6 =	simm.s32 @!p1 $0x1082;
	[sflag:s4] =	ssyncset.s32 $0xFFFFF086  }
0x25: {  	[simem:s6], [sflag:s4] =	dma.local [hbm:s3], $0xF7A  }
0x26: {  	[smem:$0x3F9E] =	sst s1;
	(tag) =	ssettag s2;
	_ =	strace s9  }
0x27: {  	s1 =	sld [smem:$0x3FAE]  }
0x28: {  	s2 =	sld [smem:$0x3FAF]  }
0x29: {  	s4 =	sld [smem:$0x3FB1]  }
0x2a: {  	p0 =	seq.s32 s5, $0x0;
	s5 =	sld [smem:$0x3FB2]  }
0x2b: {  	s6 =	sld [smem:$0x3FB3]  }
0x2c: {  	s7 =	sld [smem:$0x3FB4]  }
0x2d: {  	s3 =	simm.s32 $0x108;
	s8 =	sld [smem:$0x3FB5]  }
0x2e: {  	s3 =	simm.s32 @!p0 $0x1082;
	s9 =	sld [smem:$0x3FB6]  }
0x2f: {  	lr =	sadd.s32 s0, s3;
	s0 =	sld [smem:$0x3FAD]  }
0x30: {  	s3 =	sld [smem:$0x3FB0]  }
0x31: {  	[smem:$0x3FB9] =	sst s10  }
0x32: {  	s10 =	sld [smem:$0x3FB7];
	_ =	sdelay $0x3  }
0x33: {  	p0 =	seq.s32 s10, $0x1;
	s10 =	sld [smem:$0x3FB9];
	_ =	sdelay $0x3  }
0x34: {  	[smem:$0x3FB9] =	sst s10  }
0x35: {  	s10 =	sld [smem:$0x3FB8];
	_ =	sdelay $0x3  }
0x36: {  	p1 =	seq.s32 s10, $0x1;
	s10 =	sld [smem:$0x3FB9];
	_ =	sdelay $0x3  }
0x37: {  	[smem:$0x3FB9] =	sst s10  }
0x38: {  	s10 =	sld [smem:$0x3FBA]  }
0x39: {  	_ = 	snop;
	(pc) =	sbr.ind lr, $3  }
0x3a: {  	_ = 	snop  }
0x3b: {  	_ = 	snop  }
0x3c: {  	p2 =	seq.s32 s10, $0x1;
	s10 =	sld [smem:$0x3FB9]  }
0x3d: {  	_ =	shalt  }
0x3e: {  	_ =	shalt  }
0x3f: {  	_ =	shalt  }
0x40: {  	_ =	shalt  }
0x41: {  	_ =	shalt  }
0x42: {  	_ =	shalt  }
0x43: {  	_ =	shalt  }
0x44: {  	_ =	shalt  }
0x45: {  	_ =	shalt  }
0x46: {  	_ =	shalt  }
0x47: {  	_ =	shalt  }
0x48: {  	_ =	shalt  }
0x49: {  	_ =	shalt  }
0x4a: {  	_ =	shalt  }
0x4b: {  	_ =	shalt  }
0x4c: {  	_ =	shalt  }
0x4d: {  	_ =	shalt  }
0x4e: {  	_ =	shalt  }
0x4f: {  	_ =	shalt  }
0x50: {  	_ =	shalt  }
0x51: {  	_ =	shalt  }
0x52: {  	_ =	shalt  }
0x53: {  	_ =	shalt  }
0x54: {  	_ =	shalt  }
0x55: {  	_ =	shalt  }
0x56: {  	_ =	shalt  }
0x57: {  	_ =	shalt  }
0x58: {  	_ =	shalt  }
0x59: {  	_ =	shalt  }
0x5a: {  	_ =	shalt  }
0x5b: {  	_ =	shalt  }
0x5c: {  	_ =	shalt  }
0x5d: {  	_ =	shalt  }
0x5e: {  	_ =	shalt  }
0x5f: {  	_ =	shalt  }
0x60: {  	_ =	shalt  }
0x61: {  	_ =	shalt  }
0x62: {  	_ =	shalt  }
0x63: {  	_ =	shalt  }
0x64: {  	_ =	shalt  }
0x65: {  	_ =	shalt  }
0x66: {  	_ =	shalt  }
0x67: {  	_ =	shalt  }
0x68: {  	_ =	shalt  }
0x69: {  	_ =	shalt  }
0x6a: {  	_ =	shalt  }
0x6b: {  	_ =	shalt  }
0x6c: {  	_ =	shalt  }
0x6d: {  	_ =	shalt  }
0x6e: {  	_ =	shalt  }
0x6f: {  	_ =	shalt  }
0x70: {  	_ =	shalt  }
0x71: {  	_ =	shalt  }
0x72: {  	_ =	shalt  }
0x73: {  	_ =	shalt  }
0x74: {  	_ =	shalt  }
0x75: {  	_ =	shalt  }
0x76: {  	_ =	shalt  }
0x77: {  	_ =	shalt  }
0x78: {  	_ =	shalt  }
0x79: {  	_ =	shalt  }
0x7a: {  	_ =	shalt  }
0x7b: {  	_ =	shalt  }
0x7c: {  	_ =	shalt  }
0x7d: {  	_ =	shalt  }
0x7e: {  	_ =	shalt  }
0x7f: {  	_ =	shalt  }
0x80: {  	_ =	shalt  }
0x81: {  	_ =	shalt  }
0x82: {  	_ =	shalt  }
0x83: {  	_ =	shalt  }
0x84: {  	_ =	shalt  }
0x85: {  	_ =	shalt  }
0x86: {  	_ =	shalt  }
0x87: {  	_ =	shalt  }
.Lfunc_end0:
.L_simem_size_0:
called_computation_lowered:
.L_overlay_start_0:
0x88: {  	s2 =	sld [smem:$0x3FD9]  }
0x89: {  	s3 =	sld [smem:$0x3FFE];
	_ =	sdelay $0x1  }
0x8a: {  	s1 =	srdreg.scid  }
0x8b: {  	s0 =	sand.u32 $0x1, s1  }
0x8c: {  	s18 =	sshll.u32 s0, $0xA;
	s2 =	sadd.s32 s3, s2  }
0x8d: {  	s2 =	sadd.s32 s2, s18  }
0x8e: {  	[smem:$0x3FC5] =	sst s2  }
0x8f: {  	_ = 	snop  }
0x90: {  	s2 =	sld [smem:$0x3FC9]  }
0x91: {  	s19 =	sld [smem:$0x3FC8]  }
0x92: {  	s4 =	sld [smem:$0x3FC7]  }
0x93: {  	s5 =	sld [smem:$0x3FD0];
	(tm) =	ssettm $0x1  }
0x94: {  	s6 =	sld [smem:$0x3FFB];
	_ =	sdelay $0x3  }
0x95: {  	_ =	strace s6  }
0x96: {  	s6 =	sld [smem:$0x3FFC];
	_ =	sdelay $0x3  }
0x97: {  	_ =	strace s6  }
0x98: {  	s6 =	sld [smem:$0x3FFD];
	_ =	sdelay $0x3  }
0x99: {  	_ =	strace s6  }
0x9a: {  	_ =	strace $0x8FFFFFFF  }
0x9b: {  	s20 =	sld [smem:$0x3FDB];
	_ =	sdelay $0x1  }
0x9c: {  	s7 =	simm.s32 $_scs_section_size  }
0x9d: {  	s8 =	simm.s32 $_size__tile_overlayer_lowered;
	s9 =	simm.s32 $_tile_overlayer_lowered  }
0x9e: {  	s23 =	simm.s32 $0x1BFF;
	s22 =	sshll.u32 s9, $0x1;
	s6 =	sadd.s32 s7, s20  }
0x9f: {  	s10 =	simm.s32 $0x0;
	s21 =	sshll.u32 s8, $0x1;
	s8 =	sadd.s32 s22, s6  }
0xa0: {  	[timem:s10], [sflag:s23] =	dma.local [hbm:s8], s21  }
0xa1: {  	_ =	swait.ge [sflag:s23], s21  }
0xa2: {  	s7 =	ssub.s32 $0x0, s21;
	[sflag:s23] =	ssyncset.done $0x0  }
0xa3: {  	[sflag:s23] =	ssyncadd.s32 s7;
	_ =	sdelay $0x1  }
0xa4: {  	s24 =	simm.s32 $0x1B8B  }
0xa5: {  	_ =	swait.ge [sflag:s24], $0x1  }
0xa6: {  	[sflag:s24] =	ssyncset.done $0x0  }
0xa7: {  	s25 =	simm.s32 $0x1B8E;
	[sflag:s24] =	ssyncadd.s32 $0xFFFFFFFF  }
0xa8: {  	s26 =	simm.s32 $execute0_lowered;
	[smem:$0x3FD2] =	sst s25  }
0xa9: {  	s7 =	sshll.u32 s26, $0x1;
	_ =	strace $0x80000046;
	[dreg:$0x1] =	wrdreg $0xFFFFFFFF  }
0xaa: {  	s28 =	simm.s32 $_size_execute0_lowered;
	s6 =	sadd.s32 s6, s7;
	[dreg:$0x0] =	wrdreg $0x0  }
0xab: {  	s7 =	sshll.u32 s28, $0x1;
	[dreg:$0x2] =	wrdreg s6  }
0xac: {  	[dreg:$0x3] =	wrdreg s7  }
0xad: {  	[dreg:$0x4] =	wrdreg $0xC0  }
0xae: {  	_ =	task [dreg:s10], $0x5FFFF  }
0xaf: {  	[dreg:$0x1] =	wrdreg $0xFFFFFFFF  }
0xb0: {  	[dreg:$0x0] =	wrdreg $0x60  }
0xb1: {  	[dreg:$0x2] =	wrdreg s2  }
0xb2: {  	[dreg:$0x3] =	wrdreg s19  }
0xb3: {  	[dreg:$0x4] =	wrdreg s4  }
0xb4: {  	[dreg:$0x5] =	wrdreg s5  }
0xb5: {  	[dreg:$0x6] =	wrdreg $0x9  }
0xb6: {  	_ =	task.clear_ibuf [dreg:s10], $0x7FFFF;
	_ =	strace $0x90000046  }
0xb7: {  	s29 =	simm.s32 $0x9;
	_ =	strace $0x80000048  }
0xb8: {  	_ =	swait.ge [sflag:s29], $0x1  }
0xb9: {  	[sflag:s29] =	ssyncadd.s32 $0xFFFFFFFF  }
0xba: {  	_ =	strace $0x90000048  }
0xbb: {  	_ =	sfence  }
0xbc: {  	s30 =	sld [smem:$0x0];
	_ =	sdelay $0x2  }
0xbd: {  	s31 =	sshll.u32 s1, $0xD;
	s1 =	sshrl.u32 s1, $0x2  }
0xbe: {  	s3 =	sand.u32 $0x4000, s31;
	s1 =	sadd.s32 s1, s30  }
0xbf: {  	s0 =	sor.u32 s3, s0;
	s1 =	sshll.u32 s1, $0x11  }
0xc0: {  	s0 =	sor.u32 s1, s0  }
0xc1: {  	s0 =	sadd.s32 $0x8F2B, s0  }
0xc2: {  	[sflag:s0] =	ssyncadd.remote.s32 $0x1  }
0xc3: {  	_ =	sfence.sel $0xFFFF  }
0xc4: {  	[dreg:$0x0] =	wrdreg $0xFFFFFFFF;
	(pc) =	sbr.abs _section_cstart, $3  }
0xc5: {  	[dreg:$0x1] =	wrdreg $0xFFFFFFFF  }
0xc6: {  	_ =	task.clear_ibuf [dreg:s10], $0x2FFFF;
	_ =	strace $0x9FFFFFFF  }
0xc7: {  	(tm) =	ssettm $0x7FFFFFFF  }
tec
execute0_lowered:
.L_overlay_start_1:
0x0: {  	(tag) =	ssettag $0x1  }
0x1: {  	s4 =	rddreg [dreg:$0x0];
	s1 =	srdreg.scid  }
0x2: {  	s2 =	rddreg [dreg:$0x1];
	s0 =	stileid.u32;
	s1 =	sand.u32 $0x1, s1  }
0x3: {  	s5 =	rddreg [dreg:$0x2];
	s6 =	sshll.u32 s0, $0x8;
	s3 =	sshll.u32 s1, $0xC  }
0x4: {  	s30 =	rddreg [dreg:$0x3];
	s19 =	simm.s32 $0x200;
	s3 =	sor.u32 s6, s3  }
0x5: {  	s6 =	sand.u32 $0x700, s6;
	s20 =	sshrl.u32 s3, $0xB;
	s3 =	simm.s32 $0x0  }
0x6: {  	s7 =	sshll.u32 s6, $0x2;
	s21 =	sshll.u32 s6, $0x7;
	s6 =	sshll.u32 s6, $0x4  }
0x7: {  	s8 =	sshll.u32 s20, $0x7;
	[smem:$0x7FF] =	sst s3;
	s11 =	sadd.s32 s5, s6  }
0x8: {  	s23 =	sor.u32 $0x800, s21;
	s25 =	sor.u32 $0x1000, s21;
	s7 =	sor.u32 s7, s8  }
0x9: {  	_ =	strace $0x80000047;
	[dreg:$0x6] =	wrdreg s11;
	s13 =	sshrl.u32 s25, $0x3  }
0xa: {  	s7 =	sshrl.u32 s7, $0x3;
	s14 =	sadd.s32 s5, s13;
	s22 =	rddreg [dreg:$0x6]  }
0xb: {  	s12 =	sshrl.u32 s23, $0x3;
	s4 =	sadd.s32 s4, s7;
	[dreg:$0x8] =	wrdreg s14  }
0xc: {  	s31 =	sor.u32 $0x4000, s21;
	[dreg:$0x5] =	wrdreg s4;
	s4 =	sadd.s32 s5, s12  }
0xd: {  	s28 =	sor.u32 $0x2000, s21;
	s17 =	sshrl.u32 s31, $0x3;
	[dreg:$0x7] =	wrdreg s4  }
0xe: {  	s15 =	sshrl.u32 s28, $0x3;
	s4 =	sadd.s32 s5, s17;
	s18 =	rddreg [dreg:$0x5]  }
0xf: {  	s16 =	sadd.s32 s5, s15;
	[dreg:$0xa] =	wrdreg s4;
	s4 =	simm.s32 $0x80  }
0x10: {  	[tilespmem:s3], [sflag:$0xB] =	stream.strided.gather [hbm4b:s18+s4], $0x100, s19, s4, $0x38;
	[tilespmem:$0x8100] =	vst v63  }
0x11: {  	s6 =	simm.s32 $0x100;
	[dreg:$0x9] =	wrdreg s16  }
0x12: {  	[tilespmem:s6], [sflag:$0x6] =	stream.linear.gather [hbm4b:s22+s3], $0x800, $0x38;
	[tilespmem:$0x8100] =	vst v63  }
0x13: {  	s7 =	simm.s32 $0x900;
	s24 =	rddreg [dreg:$0x7]  }
0x14: {  	[tilespmem:s7], [sflag:$0x7] =	stream.linear.gather [hbm4b:s24+s3], $0x800, $0x38;
	[tilespmem:$0x8100] =	vst v63  }
0x15: {  	s8 =	simm.s32 $0x1100;
	s9 =	rddreg [dreg:$0x8]  }
0x16: {  	[tilespmem:s8], [sflag:$0x8] =	stream.linear.gather [hbm4b:s9+s3], $0x1000, $0x38;
	[tilespmem:$0x8100] =	vst v63  }
0x17: {  	s10 =	rddreg [dreg:$0x9];
	s9 =	simm.s32 $0x2100  }
0x18: {  	[tilespmem:s9], [sflag:$0x9] =	stream.linear.gather [hbm4b:s10+s3], $0x2000, $0x38;
	[tilespmem:$0x8100] =	vst v63  }
0x19: {  	s11 =	simm.s32 $0xB;
	s12 =	rddreg [dreg:$0xa];
	s10 =	simm.s32 $0x4100  }
0x1a: {  	[tilespmem:s10], [sflag:$0xA] =	stream.linear.gather [hbm4b:s12+s3], $0x4000, $0x38;
	[tilespmem:$0x8100] =	vst v63  }
0x1b: {  	_ =	swait.ge [sflag:s11], $0x100  }
0x1c: {  	[sflag:s11] =	ssyncset.done $0x0  }
0x1d: {  	s12 =	simm.s32 $0x6;
	[sflag:s11] =	ssyncadd.s32 $0xFFFFFF00  }
0x1e: {  	_ =	swait.ge [sflag:s12], $0x800  }
0x1f: {  	[sflag:s12] =	ssyncset.done $0x0  }
0x20: {  	s13 =	simm.s32 $0x10;
	s14 =	simm.s32 $0x7;
	[sflag:s12] =	ssyncadd.s32 $0xFFFFF800  }
0x21: {  	[tilespmem:s6], [sflag:$0x1] =	stream.indirect.gather.add.f32 [hbm:s2], $0x80, s3, s13, $0xb8;
	[tilespmem:$0x8100] =	vst v63  }
0x22: {  	_ =	swait.ge [sflag:s14], $0x800  }
0x23: {  	[sflag:s14] =	ssyncset.done $0x0  }
0x24: {  	s15 =	simm.s32 $0x8;
	[sflag:s14] =	ssyncadd.s32 $0xFFFFF800  }
0x25: {  	[tilespmem:s7], [sflag:$0x2] =	stream.indirect.gather.add.f32 [hbm:s2], $0x80, s13, s13, $0xb8;
	[tilespmem:$0x8100] =	vst v63  }
0x26: {  	_ =	swait.ge [sflag:s15], $0x1000  }
0x27: {  	[sflag:s15] =	ssyncset.done $0x0  }
0x28: {  	s26 =	simm.s32 $0x20;
	s17 =	simm.s32 $0x9;
	[sflag:s15] =	ssyncadd.s32 $0xFFFFF000  }
0x29: {  	[tilespmem:s8], [sflag:$0x3] =	stream.indirect.gather.add.f32 [hbm:s2], $0x80, s26, s26, $0xb8;
	[tilespmem:$0x8100] =	vst v63  }
0x2a: {  	_ =	swait.ge [sflag:s17], $0x2000  }
0x2b: {  	[sflag:s17] =	ssyncset.done $0x0  }
0x2c: {  	s18 =	simm.s32 $0x40;
	s19 =	simm.s32 $0xA;
	[sflag:s17] =	ssyncadd.s32 $0xFFFFE000  }
0x2d: {  	[tilespmem:s9], [sflag:$0x4] =	stream.indirect.gather.add.f32 [hbm:s2], $0x80, s18, s18, $0xb8;
	[tilespmem:$0x8100] =	vst v63  }
0x2e: {  	_ =	swait.ge [sflag:s19], $0x4000  }
0x2f: {  	[sflag:s19] =	ssyncset.done $0x0  }
0x30: {  	s5 =	sshll.u32 s20, $0x12;
	s20 =	simm.s32 $0x1;
	[sflag:s19] =	ssyncadd.s32 $0xFFFFC000  }
0x31: {  	[tilespmem:s10], [sflag:$0x5] =	stream.indirect.gather.add.f32 [hbm:s2], $0x80, s4, s4, $0xb8;
	[tilespmem:$0x8100] =	vst v63  }
0x32: {  	s21 =	sor.u32 s21, s5;
	_ =	swait.ge [sflag:s20], $0x800  }
0x33: {  	s21 =	sshrl.u32 s21, $0x3;
	[sflag:s20] =	ssyncset.done $0x0  }
0x34: {  	s21 =	sadd.s32 s30, s21;
	s22 =	simm.s32 $0x2;
	[sflag:s20] =	ssyncadd.s32 $0xFFFFF800  }
0x35: {  	[hbm4b:s21+s3] =	stream.linear.scatter [tilespmem:s6], [sflag:$0xC], $0x800, $0x38;
	[tilespmem:$0x8100] =	vst v63  }
0x36: {  	s23 =	sor.u32 s23, s5;
	_ =	swait.ge [sflag:s22], $0x800  }
0x37: {  	s23 =	sshrl.u32 s23, $0x3;
	[sflag:s22] =	ssyncset.done $0x0  }
0x38: {  	s23 =	sadd.s32 s30, s23;
	s24 =	simm.s32 $0x3;
	[sflag:s22] =	ssyncadd.s32 $0xFFFFF800  }
0x39: {  	[hbm4b:s23+s3] =	stream.linear.scatter [tilespmem:s7], [sflag:$0xC], $0x800, $0x38;
	[tilespmem:$0x8100] =	vst v63  }
0x3a: {  	s25 =	sor.u32 s25, s5;
	_ =	swait.ge [sflag:s24], $0x1000  }
0x3b: {  	s25 =	sshrl.u32 s25, $0x3;
	[sflag:s24] =	ssyncset.done $0x0  }
0x3c: {  	s25 =	sadd.s32 s30, s25;
	s26 =	simm.s32 $0x4;
	[sflag:s24] =	ssyncadd.s32 $0xFFFFF000  }
0x3d: {  	[hbm4b:s25+s3] =	stream.linear.scatter [tilespmem:s8], [sflag:$0xC], $0x1000, $0x38;
	[tilespmem:$0x8100] =	vst v63  }
0x3e: {  	s28 =	sor.u32 s28, s5;
	_ =	swait.ge [sflag:s26], $0x2000  }
0x3f: {  	s28 =	sshrl.u32 s28, $0x3;
	[sflag:s26] =	ssyncset.done $0x0  }
0x40: {  	s29 =	simm.s32 $0x5;
	s28 =	sadd.s32 s30, s28;
	[sflag:s26] =	ssyncadd.s32 $0xFFFFE000  }
0x41: {  	[hbm4b:s28+s3] =	stream.linear.scatter [tilespmem:s9], [sflag:$0xC], $0x2000, $0x38;
	[tilespmem:$0x8100] =	vst v63  }
0x42: {  	s0 =	sor.u32 s31, s5;
	_ =	swait.ge [sflag:s29], $0x4000  }
0x43: {  	s0 =	sshrl.u32 s0, $0x3;
	[sflag:s29] =	ssyncset.done $0x0  }
0x44: {  	s31 =	simm.s32 $0xC;
	s30 =	sadd.s32 s30, s0;
	[sflag:s29] =	ssyncadd.s32 $0xFFFFC000  }
0x45: {  	[hbm4b:s30+s3] =	stream.linear.scatter [tilespmem:s10], [sflag:$0xC], $0x4000, $0x38;
	[tilespmem:$0x8100] =	vst v63  }
0x46: {  	_ =	swait.ge [sflag:s31], $0x800  }
0x47: {  	[sflag:s31] =	ssyncset.done $0x0  }
0x48: {  	[sflag:s31] =	ssyncadd.s32 $0xFFFFF800  }
0x49: {  	s16 =	ssub.s32 $0x2, s1;
	_ =	swait.ge [sflag:s31], $0x800  }
0x4a: {  	s1 =	sshrl.u32 s16, $0x1;
	[sflag:s31] =	ssyncset.done $0x0  }
0x4b: {  	s0 =	ssub.s32 s16, s1;
	[sflag:s31] =	ssyncadd.s32 $0xFFFFF800  }
0x4c: {  	s0 =	smax.u32 s0, $0x1;
	_ =	swait.ge [sflag:s31], $0x1000  }
0x4d: {  	p0 =	sne.s32 s0, $0x1;
	[sflag:s31] =	ssyncset.done $0x0  }
.Ltmp0:
0x4e: {  	[sflag:s31] =	ssyncadd.s32 $0xFFFFF000;
	(pc) =	sbr.rel @!p0 .LBB2_3-.Ltmp0, $4  }
0x4f: {  	_ =	swait.ge [sflag:s31], $0x2000  }
0x50: {  	[sflag:s31] =	ssyncset.done $0x0  }
0x51: {  	[sflag:s31] =	ssyncadd.s32 $0xFFFFE000  }
0x52: {  	s1 =	sadd.s32 $0xFFFFFFFF, s0;
	_ =	swait.ge [sflag:s31], $0x4000  }
0x53: {  	s16 =	simm.s32 $0x200  }
.LBB2_2:
0x54: {  	[sflag:s31] =	ssyncset.done $0x0  }
0x55: {  	s0 =	rddreg [dreg:$0x5];
	[sflag:s31] =	ssyncadd.s32 $0xFFFFC000  }
0x56: {  	[tilespmem:s3], [sflag:$0xB] =	stream.strided.gather [hbm4b:s0+s4], $0x100, s16, s4, $0x38;
	[tilespmem:$0x8100] =	vst v63  }
0x57: {  	s5 =	rddreg [dreg:$0x6]  }
0x58: {  	[tilespmem:s6], [sflag:$0x6] =	stream.linear.gather [hbm4b:s5+s3], $0x800, $0x38;
	[tilespmem:$0x8100] =	vst v63  }
0x59: {  	s0 =	rddreg [dreg:$0x7]  }
0x5a: {  	[tilespmem:s7], [sflag:$0x7] =	stream.linear.gather [hbm4b:s0+s3], $0x800, $0x38;
	[tilespmem:$0x8100] =	vst v63  }
0x5b: {  	s5 =	rddreg [dreg:$0x8]  }
0x5c: {  	[tilespmem:s8], [sflag:$0x8] =	stream.linear.gather [hbm4b:s5+s3], $0x1000, $0x38;
	[tilespmem:$0x8100] =	vst v63  }
0x5d: {  	s0 =	rddreg [dreg:$0x9]  }
0x5e: {  	[tilespmem:s9], [sflag:$0x9] =	stream.linear.gather [hbm4b:s0+s3], $0x2000, $0x38;
	[tilespmem:$0x8100] =	vst v63  }
0x5f: {  	s5 =	rddreg [dreg:$0xa]  }
0x60: {  	[tilespmem:s10], [sflag:$0xA] =	stream.linear.gather [hbm4b:s5+s3], $0x4000, $0x38;
	[tilespmem:$0x8100] =	vst v63  }
0x61: {  	_ =	swait.ge [sflag:s11], $0x100  }
0x62: {  	[sflag:s11] =	ssyncset.done $0x0  }
0x63: {  	[sflag:s11] =	ssyncadd.s32 $0xFFFFFF00  }
0x64: {  	_ =	swait.ge [sflag:s12], $0x800  }
0x65: {  	[sflag:s12] =	ssyncset.done $0x0  }
0x66: {  	[sflag:s12] =	ssyncadd.s32 $0xFFFFF800  }
0x67: {  	[tilespmem:s6], [sflag:$0x1] =	stream.indirect.gather.add.f32 [hbm:s2], $0x80, s3, s13, $0xb8;
	[tilespmem:$0x8100] =	vst v63  }
0x68: {  	_ =	swait.ge [sflag:s14], $0x800  }
0x69: {  	[sflag:s14] =	ssyncset.done $0x0  }
0x6a: {  	[sflag:s14] =	ssyncadd.s32 $0xFFFFF800  }
0x6b: {  	[tilespmem:s7], [sflag:$0x2] =	stream.indirect.gather.add.f32 [hbm:s2], $0x80, s13, s13, $0xb8;
	[tilespmem:$0x8100] =	vst v63  }
0x6c: {  	_ =	swait.ge [sflag:s15], $0x1000  }
0x6d: {  	[sflag:s15] =	ssyncset.done $0x0  }
0x6e: {  	s5 =	simm.s32 $0x20;
	[sflag:s15] =	ssyncadd.s32 $0xFFFFF000  }
0x6f: {  	[tilespmem:s8], [sflag:$0x3] =	stream.indirect.gather.add.f32 [hbm:s2], $0x80, s5, s5, $0xb8;
	[tilespmem:$0x8100] =	vst v63  }
0x70: {  	_ =	swait.ge [sflag:s17], $0x2000  }
0x71: {  	[sflag:s17] =	ssyncset.done $0x0  }
0x72: {  	[sflag:s17] =	ssyncadd.s32 $0xFFFFE000  }
0x73: {  	[tilespmem:s9], [sflag:$0x4] =	stream.indirect.gather.add.f32 [hbm:s2], $0x80, s18, s18, $0xb8;
	[tilespmem:$0x8100] =	vst v63  }
0x74: {  	_ =	swait.ge [sflag:s19], $0x4000  }
0x75: {  	[sflag:s19] =	ssyncset.done $0x0  }
0x76: {  	[sflag:s19] =	ssyncadd.s32 $0xFFFFC000  }
0x77: {  	[tilespmem:s10], [sflag:$0x5] =	stream.indirect.gather.add.f32 [hbm:s2], $0x80, s4, s4, $0xb8;
	[tilespmem:$0x8100] =	vst v63  }
0x78: {  	_ =	swait.ge [sflag:s20], $0x800  }
0x79: {  	[sflag:s20] =	ssyncset.done $0x0  }
0x7a: {  	[sflag:s20] =	ssyncadd.s32 $0xFFFFF800  }
0x7b: {  	[hbm4b:s21+s3] =	stream.linear.scatter [tilespmem:s6], [sflag:$0xC], $0x800, $0x38;
	[tilespmem:$0x8100] =	vst v63  }
0x7c: {  	_ =	swait.ge [sflag:s22], $0x800  }
0x7d: {  	[sflag:s22] =	ssyncset.done $0x0  }
0x7e: {  	[sflag:s22] =	ssyncadd.s32 $0xFFFFF800  }
0x7f: {  	[hbm4b:s23+s3] =	stream.linear.scatter [tilespmem:s7], [sflag:$0xC], $0x800, $0x38;
	[tilespmem:$0x8100] =	vst v63  }
0x80: {  	_ =	swait.ge [sflag:s24], $0x1000  }
0x81: {  	[sflag:s24] =	ssyncset.done $0x0  }
0x82: {  	[sflag:s24] =	ssyncadd.s32 $0xFFFFF000  }
0x83: {  	[hbm4b:s25+s3] =	stream.linear.scatter [tilespmem:s8], [sflag:$0xC], $0x1000, $0x38;
	[tilespmem:$0x8100] =	vst v63  }
0x84: {  	_ =	swait.ge [sflag:s26], $0x2000  }
0x85: {  	[sflag:s26] =	ssyncset.done $0x0  }
0x86: {  	[sflag:s26] =	ssyncadd.s32 $0xFFFFE000  }
0x87: {  	[hbm4b:s28+s3] =	stream.linear.scatter [tilespmem:s9], [sflag:$0xC], $0x2000, $0x38;
	[tilespmem:$0x8100] =	vst v63  }
0x88: {  	_ =	swait.ge [sflag:s29], $0x4000  }
0x89: {  	[sflag:s29] =	ssyncset.done $0x0  }
0x8a: {  	[sflag:s29] =	ssyncadd.s32 $0xFFFFC000  }
0x8b: {  	[hbm4b:s30+s3] =	stream.linear.scatter [tilespmem:s10], [sflag:$0xC], $0x4000, $0x38;
	[tilespmem:$0x8100] =	vst v63  }
0x8c: {  	_ =	swait.ge [sflag:s31], $0x800  }
0x8d: {  	[sflag:s31] =	ssyncset.done $0x0  }
0x8e: {  	[sflag:s31] =	ssyncadd.s32 $0xFFFFF800  }
0x8f: {  	_ =	swait.ge [sflag:s31], $0x800  }
0x90: {  	[sflag:s31] =	ssyncset.done $0x0  }
0x91: {  	[sflag:s31] =	ssyncadd.s32 $0xFFFFF800  }
0x92: {  	_ =	swait.ge [sflag:s31], $0x1000  }
0x93: {  	p0 =	sne.s32 s1, $0x1;
	[sflag:s31] =	ssyncset.done $0x0  }
.Ltmp1:
0x94: {  	[sflag:s31] =	ssyncadd.s32 $0xFFFFF000;
	(pc) =	sbr.rel @p0 .LBB2_2-.Ltmp1, $4  }
0x95: {  	_ =	swait.ge [sflag:s31], $0x2000  }
0x96: {  	[sflag:s31] =	ssyncset.done $0x0  }
0x97: {  	[sflag:s31] =	ssyncadd.s32 $0xFFFFE000  }
0x98: {  	s1 =	sadd.s32 $0xFFFFFFFF, s1;
	_ =	swait.ge [sflag:s31], $0x4000  }
.LBB2_3:
0x99: {  	[sflag:s31] =	ssyncset.done $0x0  }
0x9a: {  	[sflag:s31] =	ssyncadd.s32 $0xFFFFC000  }
0x9b: {  	_ =	sfence.sel $0x180000  }
0x9c: {  	[bflag:$0x0] =	sbarrier.arrive $0xFFFF  }
0x9d: {  	_ =	strace $0x90000047  }
0x9e: {  	s0 =	stileid.u32;
	[bflag:$0x2] =	sbarrier.arrive $0xFFFF  }
0x9f: {  	p0 =	sne.s32 s0, $0x0;
	s0 =	rddreg [dreg:$0x4]  }
0xa0: {  	s0 =	sadd.s32 @!p0 $0x100000, s0  }
0xa1: {  	[sflag:s0] =	ssyncadd.tile.s32 @!p0 $0x1;
	_ =	shalt  }
.Lfunc_end2:
_tile_overlayer_lowered:
.L_overlay_start_2:
0xa2: {  	(tag) =	ssettag $0x2  }
0xa3: {  	s0 =	rddreg [dreg:$0x0];
	s2 =	stileid.u32  }
0xa4: {  	s1 =	rddreg [dreg:$0x1];
	p0 =	sne.s32 s2, $0x0  }
0xa5: {  	s3 =	rddreg [dreg:$0x2];
	[bflag:$0x3] =	sbarrier.arrive $0xFFFF;
	s2 =	simm.s32 @!p0 $0x1C0D  }
0xa6: {  	[timem:s3], [sflag:s2] =	dma.local @!p0 [hbm:s0], s1  }
0xa7: {  	s0 =	simm.s32 @!p0 $0xD  }
0xa8: {  	_ =	swait.ge @!p0 [sflag:s0], s1  }
0xa9: {  	s1 =	ssub.s32 @!p0 $0x0, s1;
	[sflag:s0] =	ssyncset.done @!p0 $0x0  }
0xaa: {  	[sflag:s0] =	ssyncadd.s32 @!p0 s1  }
0xab: {  	[bflag:$0x3] =	sbarrier.arrive $0xFFFF  }
0xac: {  	_ =	shalt  }

</sc_bundles>
